<compile_context>
chip_gen: v7x
topology: tpu7x:2x2x1
jax: 0.10.2.dev20260603
libtpu: 0.0.44.dev20260713+nightly
codegen_flags: <defaults>
</compile_context>

<pallas_src>
import functools

import jax
import jax.numpy as jnp
from jax import lax
from jax.experimental import pallas as pl
from jax.experimental.pallas import tpu as pltpu
from jax.experimental.pallas import tpu_sc as plsc

N_PSI = 24
N_CONES = 192
N_SO3 = N_CONES * N_PSI
BLOCK_B = 2048


def _cone_kernel(pred_ref, grid_ref, out_ref):
    bb = pred_ref.shape[2]
    p9 = jnp.concatenate([pred_ref[0], pred_ref[1], pred_ref[2]], axis=0)
    g9 = jnp.concatenate([grid_ref[0], grid_ref[1], grid_ref[2]], axis=0)
    simT = jax.lax.dot_general(
        g9, p9, (((0,), (0,)), ((), ())),
        preferred_element_type=jnp.float32)
    m8 = jnp.max(simT.reshape(N_CONES, 3, 8, bb), axis=1)
    gmax = jnp.max(m8, axis=(0, 1), keepdims=True)
    cidx = jax.lax.broadcasted_iota(jnp.int32, (N_CONES, 1, 1), 0)
    cone = jnp.min(jnp.where(m8 == gmax, cidx, N_CONES),
                   axis=(0, 1), keepdims=True)
    out_ref[...] = cone[0, 0]


def _tc_cone_ids(pred_rotmats, grid_rotmats):
    b = pred_rotmats.shape[0]
    predT = pred_rotmats.transpose(1, 2, 0)
    gridT = grid_rotmats.transpose(1, 2, 0)
    return pl.pallas_call(
        _cone_kernel,
        grid=(b // BLOCK_B,),
        in_specs=[
            pl.BlockSpec((3, 3, BLOCK_B), lambda i: (0, 0, i)),
            pl.BlockSpec((3, 3, N_SO3), lambda i: (0, 0, 0)),
        ],
        out_specs=pl.BlockSpec((BLOCK_B,), lambda i: (i,)),
        out_shape=jax.ShapeDtypeStruct((b,), jnp.int32),
        compiler_params=pltpu.CompilerParams(
            dimension_semantics=("parallel",)),
    )(predT, gridT)


def _sc_normalize(cone_ids, scores, medians, mads):
    b = scores.shape[0]
    info = plsc.get_sparse_core_info()
    nw = info.num_cores * info.num_subcores
    bpw = b // nw
    mesh = plsc.VectorSubcoreMesh(core_axis_name="c", subcore_axis_name="s")

    @functools.partial(
        pl.kernel, mesh=mesh,
        out_type=jax.ShapeDtypeStruct((b,), jnp.float32),
        scratch_types=[
            pltpu.VMEM((bpw,), jnp.int32),
            pltpu.VMEM((bpw,), jnp.float32),
            pltpu.VMEM((bpw,), jnp.float32),
            pltpu.VMEM((bpw,), jnp.float32),
            pltpu.VMEM((bpw,), jnp.float32),
            pltpu.SemaphoreType.DMA,
        ],
    )
    def k(cone_hbm, scores_hbm, med_hbm, mad_hbm, out_hbm,
          idx_v, sc_v, med_g, mad_g, res_v, sem):
        wid = lax.axis_index("s") * info.num_cores + lax.axis_index("c")
        base = wid * bpw
        pltpu.sync_copy(cone_hbm.at[pl.ds(base, bpw)], idx_v)
        pltpu.sync_copy(scores_hbm.at[pl.ds(base, bpw)], sc_v)
        pltpu.async_copy(med_hbm.at[idx_v], med_g, sem).wait()
        pltpu.async_copy(mad_hbm.at[idx_v], mad_g, sem).wait()
        for j in range(bpw // 16):
            sl = pl.ds(j * 16, 16)
            res_v[sl] = (sc_v[sl] - med_g[sl]) / mad_g[sl]
        pltpu.sync_copy(res_v, out_hbm.at[pl.ds(base, bpw)])

    return k(cone_ids, scores, medians, mads)


@jax.jit
def kernel(pred_rotmats, scores, grid_rotmats, medians, mads):
    cone_ids = _tc_cone_ids(pred_rotmats, grid_rotmats)
    return _sc_normalize(cone_ids, scores, medians, mads)

# --- scband reference (transcript-rebuilt; emitter-appended) ---
"""Pipeline reference for scband-directional-percentile-normalizer-17712445129085 (READ-ONLY COPY).

The authoritative reference and input builder live on the scoring server;
editing this copy changes nothing except your own understanding.
"""

import jax, jax.numpy as jnp
import numpy as np

HP_ORDER = 2
NSIDE = 2 ** HP_ORDER
N_CONES = 12 * NSIDE * NSIDE  # 192, healpy nside2npix
N_PSI = 6 * NSIDE             # 24 in-plane rotations per cone
N_SO3 = N_CONES * N_PSI       # 4608 SO(3) grid points
B = 4096


def setup_inputs(seed: int = 0) -> dict:
    key = jax.random.key(seed)
    k1, k2, k3, k4, k5 = jax.random.split(key, 5)
    pred_rotmats = jax.random.normal(k1, (B, 3, 3), dtype=jnp.float32)
    scores = jax.random.normal(k2, (B,), dtype=jnp.float32)
    # learned/fitted buffers: SO(3) output grid rotmats + per-cone robust stats
    grid_rotmats = jax.random.normal(k3, (N_SO3, 3, 3), dtype=jnp.float32)
    medians = jax.random.normal(k4, (N_CONES,), dtype=jnp.float32)
    mads = jax.random.uniform(k5, (N_CONES,), dtype=jnp.float32, minval=0.5, maxval=1.5)
    return {
        "pred_rotmats": pred_rotmats,
        "scores": scores,
        "grid_rotmats": grid_rotmats,
        "medians": medians,
        "mads": mads,
    }


def reference(pred_rotmats, scores, grid_rotmats, medians, mads):
    # nearest_rotmat_idx: maximize trace(R_grid^T R_pred) over the SO(3) grid
    sim = jnp.einsum('bij,nij->bn', pred_rotmats, grid_rotmats)
    so3_indices = jnp.argmax(sim, axis=-1)
    # so3_to_cone_ids: consecutive in-plane rotations per cone
    cone_indices = so3_indices // N_PSI
    med = jnp.take(medians, cone_indices, axis=0)
    mad = jnp.take(mads, cone_indices, axis=0)
    # directional z-score normalization
    return (scores - med) / mad

if __name__ == "__main__":
    import jax
    _d = setup_inputs()
    print(jax.jit(kernel)(*tuple(_d.values())))

</pallas_src>

<mosaic_0001>
#map = affine_map<(d0, d1) -> (0)>
module attributes {stable_mosaic.version = 14 : i64} {
  func.func @k(%arg0: i32, %arg1: i32, %arg2: memref<4096xi32, #tpu.memory_space<hbm>>, %arg3: memref<4096xf32, #tpu.memory_space<hbm>>, %arg4: memref<192xf32, #tpu.memory_space<hbm>>, %arg5: memref<192xf32, #tpu.memory_space<hbm>>, %arg6: memref<4096xf32, #tpu.memory_space<hbm>>, %arg7: memref<128xi32, #tpu.memory_space<vmem>>, %arg8: memref<128xf32, #tpu.memory_space<vmem>>, %arg9: memref<128xf32, #tpu.memory_space<vmem>>, %arg10: memref<128xf32, #tpu.memory_space<vmem>>, %arg11: memref<128xf32, #tpu.memory_space<vmem>>, %arg12: memref<!tpu.dma_semaphore, #tpu.memory_space<semaphore_mem>>) attributes {dimension_semantics = [#tpu.dimension_semantics<core_parallel>, #tpu.dimension_semantics<subcore_parallel>], iteration_bounds = array<i64: 2, 16>, scalar_prefetch = 0 : i64, scratch_operands = 6 : i64, tpu.core_type = #tpu.core_type<sc_vector_subcore>, window_params = [{transform_indices = #map}, {transform_indices = #map}, {transform_indices = #map}, {transform_indices = #map}, {transform_indices = #map}]} {
    %mul3A = arith.constant 2 : i32
    %mul3A_0 = arith.muli %arg1, %mul3A : i32
    %add3A = arith.addi %mul3A_0, %arg0 : i32
    %mul3A_1 = arith.constant 128 : i32
    %mul3A_2 = arith.muli %add3A, %mul3A_1 : i32
    "tpu.region"() ({
      %run_scoped3A = tpu.sem_alloc : memref<!tpu.dma_semaphore, #tpu.memory_space<semaphore_mem>>
      %dma_start3A_125 = tpu.memref_slice %arg2[%mul3A_2] : memref<4096xi32, #tpu.memory_space<hbm>> -> memref<128xi32, #tpu.memory_space<hbm>>
      %dma_start3A_126 = tpu.memref_slice %arg2[%mul3A_2] : memref<4096xi32, #tpu.memory_space<hbm>> -> memref<128xi32, #tpu.memory_space<hbm>>
      tpu.enqueue_dma source(%dma_start3A_126 : memref<128xi32, #tpu.memory_space<hbm>>) target(%arg7 : memref<128xi32, #tpu.memory_space<vmem>>) target_semaphore(%run_scoped3A : memref<!tpu.dma_semaphore, #tpu.memory_space<semaphore_mem>>)
      %dma_wait3A_127 = tpu.memref_slice %arg2[%mul3A_2] : memref<4096xi32, #tpu.memory_space<hbm>> -> memref<128xi32, #tpu.memory_space<hbm>>
      %dma_wait3A_128 = tpu.memref_slice %arg2[%mul3A_2] : memref<4096xi32, #tpu.memory_space<hbm>> -> memref<128xi32, #tpu.memory_space<hbm>>
      tpu.wait_dma2 semaphore(%run_scoped3A : memref<!tpu.dma_semaphore, #tpu.memory_space<semaphore_mem>>) src(%dma_wait3A_128 : memref<128xi32, #tpu.memory_space<hbm>>) dst(%arg7 : memref<128xi32, #tpu.memory_space<vmem>>)
      tpu.yield
    }) : () -> ()
    "tpu.region"() ({
      %run_scoped3A = tpu.sem_alloc : memref<!tpu.dma_semaphore, #tpu.memory_space<semaphore_mem>>
      %dma_start3A_125 = tpu.memref_slice %arg3[%mul3A_2] : memref<4096xf32, #tpu.memory_space<hbm>> -> memref<128xf32, #tpu.memory_space<hbm>>
      %dma_start3A_126 = tpu.memref_slice %arg3[%mul3A_2] : memref<4096xf32, #tpu.memory_space<hbm>> -> memref<128xf32, #tpu.memory_space<hbm>>
      tpu.enqueue_dma source(%dma_start3A_126 : memref<128xf32, #tpu.memory_space<hbm>>) target(%arg8 : memref<128xf32, #tpu.memory_space<vmem>>) target_semaphore(%run_scoped3A : memref<!tpu.dma_semaphore, #tpu.memory_space<semaphore_mem>>)
      %dma_wait3A_127 = tpu.memref_slice %arg3[%mul3A_2] : memref<4096xf32, #tpu.memory_space<hbm>> -> memref<128xf32, #tpu.memory_space<hbm>>
      %dma_wait3A_128 = tpu.memref_slice %arg3[%mul3A_2] : memref<4096xf32, #tpu.memory_space<hbm>> -> memref<128xf32, #tpu.memory_space<hbm>>
      tpu.wait_dma2 semaphore(%run_scoped3A : memref<!tpu.dma_semaphore, #tpu.memory_space<semaphore_mem>>) src(%dma_wait3A_128 : memref<128xf32, #tpu.memory_space<hbm>>) dst(%arg8 : memref<128xf32, #tpu.memory_space<vmem>>)
      tpu.yield
    }) : () -> ()
    %dma_start3A = arith.constant 0 : i32
    %dma_start3A_3 = tpu.memref_slice %arg4[%dma_start3A] : memref<192xf32, #tpu.memory_space<hbm>> -> memref<192xf32, #tpu.memory_space<hbm>>
    tpu.enqueue_indirect_dma source(%dma_start3A_3 : memref<192xf32, #tpu.memory_space<hbm>>) target(%arg9 : memref<128xf32, #tpu.memory_space<vmem>>) offsets(%arg7 : memref<128xi32, #tpu.memory_space<vmem>>) semaphore(%arg12 : memref<!tpu.dma_semaphore, #tpu.memory_space<semaphore_mem>>)
    %dma_wait3A = arith.constant 0 : i32
    %dma_wait3A_4 = tpu.memref_slice %arg4[%dma_wait3A] : memref<192xf32, #tpu.memory_space<hbm>> -> memref<192xf32, #tpu.memory_space<hbm>>
    tpu.wait_indirect_dma semaphore(%arg12 : memref<!tpu.dma_semaphore, #tpu.memory_space<semaphore_mem>>) src(%dma_wait3A_4 : memref<192xf32, #tpu.memory_space<hbm>>) dst(%arg9 : memref<128xf32, #tpu.memory_space<vmem>>)
    %dma_start3A_5 = arith.constant 0 : i32
    %dma_start3A_6 = tpu.memref_slice %arg5[%dma_start3A_5] : memref<192xf32, #tpu.memory_space<hbm>> -> memref<192xf32, #tpu.memory_space<hbm>>
    tpu.enqueue_indirect_dma source(%dma_start3A_6 : memref<192xf32, #tpu.memory_space<hbm>>) target(%arg10 : memref<128xf32, #tpu.memory_space<vmem>>) offsets(%arg7 : memref<128xi32, #tpu.memory_space<vmem>>) semaphore(%arg12 : memref<!tpu.dma_semaphore, #tpu.memory_space<semaphore_mem>>)
    %dma_wait3A_7 = arith.constant 0 : i32
    %dma_wait3A_8 = tpu.memref_slice %arg5[%dma_wait3A_7] : memref<192xf32, #tpu.memory_space<hbm>> -> memref<192xf32, #tpu.memory_space<hbm>>
    tpu.wait_indirect_dma semaphore(%arg12 : memref<!tpu.dma_semaphore, #tpu.memory_space<semaphore_mem>>) src(%dma_wait3A_8 : memref<192xf32, #tpu.memory_space<hbm>>) dst(%arg10 : memref<128xf32, #tpu.memory_space<vmem>>)
    %get3A = arith.constant 0 : index
    %get3A_9 = tpu.vector_load %arg8[%get3A] {strides = array<i32>} : memref<128xf32, #tpu.memory_space<vmem>>, vector<16xf32>,
    %get3A_10 = vector.shape_cast %get3A_9 : vector<16xf32> to vector<16xf32>
    %get3A_11 = arith.constant 0 : index
    %get3A_12 = tpu.vector_load %arg9[%get3A_11] {strides = array<i32>} : memref<128xf32, #tpu.memory_space<vmem>>, vector<16xf32>,
    %get3A_13 = vector.shape_cast %get3A_12 : vector<16xf32> to vector<16xf32>
    %sub3A = arith.subf %get3A_10, %get3A_13 : vector<16xf32>
    %get3A_14 = arith.constant 0 : index
    %get3A_15 = tpu.vector_load %arg10[%get3A_14] {strides = array<i32>} : memref<128xf32, #tpu.memory_space<vmem>>, vector<16xf32>,
    %get3A_16 = vector.shape_cast %get3A_15 : vector<16xf32> to vector<16xf32>
    %div3A = arith.divf %sub3A, %get3A_16 : vector<16xf32>
    %swap3A = arith.constant 0 : index
    %swap3A_17 = tpu.vector_load %arg11[%swap3A] {strides = array<i32>} : memref<128xf32, #tpu.memory_space<vmem>>, vector<16xf32>,
    %swap3A_18 = vector.shape_cast %swap3A_17 : vector<16xf32> to vector<16xf32>
    %swap3A_19 = vector.shape_cast %div3A : vector<16xf32> to vector<16xf32>
    tpu.vector_store %arg11[%swap3A], %swap3A_19 {strides = array<i32>} : memref<128xf32, #tpu.memory_space<vmem>>, vector<16xf32>,
    %get3A_20 = arith.constant 16 : index
    %get3A_21 = tpu.vector_load %arg8[%get3A_20] {strides = array<i32>} : memref<128xf32, #tpu.memory_space<vmem>>, vector<16xf32>,
    %get3A_22 = vector.shape_cast %get3A_21 : vector<16xf32> to vector<16xf32>
    %get3A_23 = arith.constant 16 : index
    %get3A_24 = tpu.vector_load %arg9[%get3A_23] {strides = array<i32>} : memref<128xf32, #tpu.memory_space<vmem>>, vector<16xf32>,
    %get3A_25 = vector.shape_cast %get3A_24 : vector<16xf32> to vector<16xf32>
    %sub3A_26 = arith.subf %get3A_22, %get3A_25 : vector<16xf32>
    %get3A_27 = arith.constant 16 : index
    %get3A_28 = tpu.vector_load %arg10[%get3A_27] {strides = array<i32>} : memref<128xf32, #tpu.memory_space<vmem>>, vector<16xf32>,
    %get3A_29 = vector.shape_cast %get3A_28 : vector<16xf32> to vector<16xf32>
    %div3A_30 = arith.divf %sub3A_26, %get3A_29 : vector<16xf32>
    %swap3A_31 = arith.constant 16 : index
    %swap3A_32 = tpu.vector_load %arg11[%swap3A_31] {strides = array<i32>} : memref<128xf32, #tpu.memory_space<vmem>>, vector<16xf32>,
    %swap3A_33 = vector.shape_cast %swap3A_32 : vector<16xf32> to vector<16xf32>
    %swap3A_34 = vector.shape_cast %div3A_30 : vector<16xf32> to vector<16xf32>
    tpu.vector_store %arg11[%swap3A_31], %swap3A_34 {strides = array<i32>} : memref<128xf32, #tpu.memory_space<vmem>>, vector<16xf32>,
    %get3A_35 = arith.constant 32 : index
    %get3A_36 = tpu.vector_load %arg8[%get3A_35] {strides = array<i32>} : memref<128xf32, #tpu.memory_space<vmem>>, vector<16xf32>,
    %get3A_37 = vector.shape_cast %get3A_36 : vector<16xf32> to vector<16xf32>
    %get3A_38 = arith.constant 32 : index
    %get3A_39 = tpu.vector_load %arg9[%get3A_38] {strides = array<i32>} : memref<128xf32, #tpu.memory_space<vmem>>, vector<16xf32>,
    %get3A_40 = vector.shape_cast %get3A_39 : vector<16xf32> to vector<16xf32>
    %sub3A_41 = arith.subf %get3A_37, %get3A_40 : vector<16xf32>
    %get3A_42 = arith.constant 32 : index
    %get3A_43 = tpu.vector_load %arg10[%get3A_42] {strides = array<i32>} : memref<128xf32, #tpu.memory_space<vmem>>, vector<16xf32>,
    %get3A_44 = vector.shape_cast %get3A_43 : vector<16xf32> to vector<16xf32>
    %div3A_45 = arith.divf %sub3A_41, %get3A_44 : vector<16xf32>
    %swap3A_46 = arith.constant 32 : index
    %swap3A_47 = tpu.vector_load %arg11[%swap3A_46] {strides = array<i32>} : memref<128xf32, #tpu.memory_space<vmem>>, vector<16xf32>,
    %swap3A_48 = vector.shape_cast %swap3A_47 : vector<16xf32> to vector<16xf32>
    %swap3A_49 = vector.shape_cast %div3A_45 : vector<16xf32> to vector<16xf32>
    tpu.vector_store %arg11[%swap3A_46], %swap3A_49 {strides = array<i32>} : memref<128xf32, #tpu.memory_space<vmem>>, vector<16xf32>,
    %get3A_50 = arith.constant 48 : index
    %get3A_51 = tpu.vector_load %arg8[%get3A_50] {strides = array<i32>} : memref<128xf32, #tpu.memory_space<vmem>>, vector<16xf32>,
    %get3A_52 = vector.shape_cast %get3A_51 : vector<16xf32> to vector<16xf32>
    %get3A_53 = arith.constant 48 : index
    %get3A_54 = tpu.vector_load %arg9[%get3A_53] {strides = array<i32>} : memref<128xf32, #tpu.memory_space<vmem>>, vector<16xf32>,
    %get3A_55 = vector.shape_cast %get3A_54 : vector<16xf32> to vector<16xf32>
    %sub3A_56 = arith.subf %get3A_52, %get3A_55 : vector<16xf32>
    %get3A_57 = arith.constant 48 : index
    %get3A_58 = tpu.vector_load %arg10[%get3A_57] {strides = array<i32>} : memref<128xf32, #tpu.memory_space<vmem>>, vector<16xf32>,
    %get3A_59 = vector.shape_cast %get3A_58 : vector<16xf32> to vector<16xf32>
    %div3A_60 = arith.divf %sub3A_56, %get3A_59 : vector<16xf32>
    %swap3A_61 = arith.constant 48 : index
    %swap3A_62 = tpu.vector_load %arg11[%swap3A_61] {strides = array<i32>} : memref<128xf32, #tpu.memory_space<vmem>>, vector<16xf32>,
    %swap3A_63 = vector.shape_cast %swap3A_62 : vector<16xf32> to vector<16xf32>
    %swap3A_64 = vector.shape_cast %div3A_60 : vector<16xf32> to vector<16xf32>
    tpu.vector_store %arg11[%swap3A_61], %swap3A_64 {strides = array<i32>} : memref<128xf32, #tpu.memory_space<vmem>>, vector<16xf32>,
    %get3A_65 = arith.constant 64 : index
    %get3A_66 = tpu.vector_load %arg8[%get3A_65] {strides = array<i32>} : memref<128xf32, #tpu.memory_space<vmem>>, vector<16xf32>,
    %get3A_67 = vector.shape_cast %get3A_66 : vector<16xf32> to vector<16xf32>
    %get3A_68 = arith.constant 64 : index
    %get3A_69 = tpu.vector_load %arg9[%get3A_68] {strides = array<i32>} : memref<128xf32, #tpu.memory_space<vmem>>, vector<16xf32>,
    %get3A_70 = vector.shape_cast %get3A_69 : vector<16xf32> to vector<16xf32>
    %sub3A_71 = arith.subf %get3A_67, %get3A_70 : vector<16xf32>
    %get3A_72 = arith.constant 64 : index
    %get3A_73 = tpu.vector_load %arg10[%get3A_72] {strides = array<i32>} : memref<128xf32, #tpu.memory_space<vmem>>, vector<16xf32>,
    %get3A_74 = vector.shape_cast %get3A_73 : vector<16xf32> to vector<16xf32>
    %div3A_75 = arith.divf %sub3A_71, %get3A_74 : vector<16xf32>
    %swap3A_76 = arith.constant 64 : index
    %swap3A_77 = tpu.vector_load %arg11[%swap3A_76] {strides = array<i32>} : memref<128xf32, #tpu.memory_space<vmem>>, vector<16xf32>,
    %swap3A_78 = vector.shape_cast %swap3A_77 : vector<16xf32> to vector<16xf32>
    %swap3A_79 = vector.shape_cast %div3A_75 : vector<16xf32> to vector<16xf32>
    tpu.vector_store %arg11[%swap3A_76], %swap3A_79 {strides = array<i32>} : memref<128xf32, #tpu.memory_space<vmem>>, vector<16xf32>,
    %get3A_80 = arith.constant 80 : index
    %get3A_81 = tpu.vector_load %arg8[%get3A_80] {strides = array<i32>} : memref<128xf32, #tpu.memory_space<vmem>>, vector<16xf32>,
    %get3A_82 = vector.shape_cast %get3A_81 : vector<16xf32> to vector<16xf32>
    %get3A_83 = arith.constant 80 : index
    %get3A_84 = tpu.vector_load %arg9[%get3A_83] {strides = array<i32>} : memref<128xf32, #tpu.memory_space<vmem>>, vector<16xf32>,
    %get3A_85 = vector.shape_cast %get3A_84 : vector<16xf32> to vector<16xf32>
    %sub3A_86 = arith.subf %get3A_82, %get3A_85 : vector<16xf32>
    %get3A_87 = arith.constant 80 : index
    %get3A_88 = tpu.vector_load %arg10[%get3A_87] {strides = array<i32>} : memref<128xf32, #tpu.memory_space<vmem>>, vector<16xf32>,
    %get3A_89 = vector.shape_cast %get3A_88 : vector<16xf32> to vector<16xf32>
    %div3A_90 = arith.divf %sub3A_86, %get3A_89 : vector<16xf32>
    %swap3A_91 = arith.constant 80 : index
    %swap3A_92 = tpu.vector_load %arg11[%swap3A_91] {strides = array<i32>} : memref<128xf32, #tpu.memory_space<vmem>>, vector<16xf32>,
    %swap3A_93 = vector.shape_cast %swap3A_92 : vector<16xf32> to vector<16xf32>
    %swap3A_94 = vector.shape_cast %div3A_90 : vector<16xf32> to vector<16xf32>
    tpu.vector_store %arg11[%swap3A_91], %swap3A_94 {strides = array<i32>} : memref<128xf32, #tpu.memory_space<vmem>>, vector<16xf32>,
    %get3A_95 = arith.constant 96 : index
    %get3A_96 = tpu.vector_load %arg8[%get3A_95] {strides = array<i32>} : memref<128xf32, #tpu.memory_space<vmem>>, vector<16xf32>,
    %get3A_97 = vector.shape_cast %get3A_96 : vector<16xf32> to vector<16xf32>
    %get3A_98 = arith.constant 96 : index
    %get3A_99 = tpu.vector_load %arg9[%get3A_98] {strides = array<i32>} : memref<128xf32, #tpu.memory_space<vmem>>, vector<16xf32>,
    %get3A_100 = vector.shape_cast %get3A_99 : vector<16xf32> to vector<16xf32>
    %sub3A_101 = arith.subf %get3A_97, %get3A_100 : vector<16xf32>
    %get3A_102 = arith.constant 96 : index
    %get3A_103 = tpu.vector_load %arg10[%get3A_102] {strides = array<i32>} : memref<128xf32, #tpu.memory_space<vmem>>, vector<16xf32>,
    %get3A_104 = vector.shape_cast %get3A_103 : vector<16xf32> to vector<16xf32>
    %div3A_105 = arith.divf %sub3A_101, %get3A_104 : vector<16xf32>
    %swap3A_106 = arith.constant 96 : index
    %swap3A_107 = tpu.vector_load %arg11[%swap3A_106] {strides = array<i32>} : memref<128xf32, #tpu.memory_space<vmem>>, vector<16xf32>,
    %swap3A_108 = vector.shape_cast %swap3A_107 : vector<16xf32> to vector<16xf32>
    %swap3A_109 = vector.shape_cast %div3A_105 : vector<16xf32> to vector<16xf32>
    tpu.vector_store %arg11[%swap3A_106], %swap3A_109 {strides = array<i32>} : memref<128xf32, #tpu.memory_space<vmem>>, vector<16xf32>,
    %get3A_110 = arith.constant 112 : index
    %get3A_111 = tpu.vector_load %arg8[%get3A_110] {strides = array<i32>} : memref<128xf32, #tpu.memory_space<vmem>>, vector<16xf32>,
    %get3A_112 = vector.shape_cast %get3A_111 : vector<16xf32> to vector<16xf32>
    %get3A_113 = arith.constant 112 : index
    %get3A_114 = tpu.vector_load %arg9[%get3A_113] {strides = array<i32>} : memref<128xf32, #tpu.memory_space<vmem>>, vector<16xf32>,
    %get3A_115 = vector.shape_cast %get3A_114 : vector<16xf32> to vector<16xf32>
    %sub3A_116 = arith.subf %get3A_112, %get3A_115 : vector<16xf32>
    %get3A_117 = arith.constant 112 : index
    %get3A_118 = tpu.vector_load %arg10[%get3A_117] {strides = array<i32>} : memref<128xf32, #tpu.memory_space<vmem>>, vector<16xf32>,
    %get3A_119 = vector.shape_cast %get3A_118 : vector<16xf32> to vector<16xf32>
    %div3A_120 = arith.divf %sub3A_116, %get3A_119 : vector<16xf32>
    %swap3A_121 = arith.constant 112 : index
    %swap3A_122 = tpu.vector_load %arg11[%swap3A_121] {strides = array<i32>} : memref<128xf32, #tpu.memory_space<vmem>>, vector<16xf32>,
    %swap3A_123 = vector.shape_cast %swap3A_122 : vector<16xf32> to vector<16xf32>
    %swap3A_124 = vector.shape_cast %div3A_120 : vector<16xf32> to vector<16xf32>
    tpu.vector_store %arg11[%swap3A_121], %swap3A_124 {strides = array<i32>} : memref<128xf32, #tpu.memory_space<vmem>>, vector<16xf32>,
    "tpu.region"() ({
      %run_scoped3A = tpu.sem_alloc : memref<!tpu.dma_semaphore, #tpu.memory_space<semaphore_mem>>
      %dma_start3A_125 = tpu.memref_slice %arg6[%mul3A_2] : memref<4096xf32, #tpu.memory_space<hbm>> -> memref<128xf32, #tpu.memory_space<hbm>>
      %dma_start3A_126 = tpu.memref_slice %arg6[%mul3A_2] : memref<4096xf32, #tpu.memory_space<hbm>> -> memref<128xf32, #tpu.memory_space<hbm>>
      tpu.enqueue_dma source(%arg11 : memref<128xf32, #tpu.memory_space<vmem>>) target(%dma_start3A_126 : memref<128xf32, #tpu.memory_space<hbm>>) target_semaphore(%run_scoped3A : memref<!tpu.dma_semaphore, #tpu.memory_space<semaphore_mem>>)
      %dma_wait3A_127 = tpu.memref_slice %arg6[%mul3A_2] : memref<4096xf32, #tpu.memory_space<hbm>> -> memref<128xf32, #tpu.memory_space<hbm>>
      %dma_wait3A_128 = tpu.memref_slice %arg6[%mul3A_2] : memref<4096xf32, #tpu.memory_space<hbm>> -> memref<128xf32, #tpu.memory_space<hbm>>
      tpu.wait_dma2 semaphore(%run_scoped3A : memref<!tpu.dma_semaphore, #tpu.memory_space<semaphore_mem>>) src(%arg11 : memref<128xf32, #tpu.memory_space<vmem>>) dst(%dma_wait3A_128 : memref<128xf32, #tpu.memory_space<hbm>>)
      tpu.yield
    }) : () -> ()
    return
  }
}

module attributes {stable_mosaic.version = 14 : i64} {
  func.func @_cone_kernel(%arg0: i32, %arg1: memref<3x3x2048xf32, #tpu.memory_space<vmem>>, %arg2: memref<3x3x4608xf32, #tpu.memory_space<vmem>>, %arg3: memref<2048xi32, #tpu.memory_space<vmem>>) attributes {dimension_semantics = [#tpu.dimension_semantics<parallel>], iteration_bounds = array<i64: 2>, scalar_prefetch = 0 : i64, scratch_operands = 0 : i64, tpu.core_type = #tpu.core_type<tc>, window_params = [{transform_indices = @transform_0, window_bounds = array<i64: 3, 3, 2048>}, {pipeline_mode = #tpu.pipeline_mode<synchronous>, transform_indices = @transform_1, window_bounds = array<i64: 3, 3, 4608>}, {transform_indices = @transform_2, window_bounds = array<i64: 2048>}]} {
    %get3A = arith.constant 0 : index
    %get3A_0 = arith.constant 0 : index
    %get3A_1 = arith.constant 0 : index
    %get3A_2 = vector.load %arg1[%get3A, %get3A_0, %get3A_1] : memref<3x3x2048xf32, #tpu.memory_space<vmem>>, vector<1x3x2048xf32>
    %get3A_3 = vector.shape_cast %get3A_2 : vector<1x3x2048xf32> to vector<3x2048xf32>
    %get3A_4 = arith.constant 1 : index
    %get3A_5 = arith.constant 0 : index
    %get3A_6 = arith.constant 0 : index
    %get3A_7 = vector.load %arg1[%get3A_4, %get3A_5, %get3A_6] : memref<3x3x2048xf32, #tpu.memory_space<vmem>>, vector<1x3x2048xf32>
    %get3A_8 = vector.shape_cast %get3A_7 : vector<1x3x2048xf32> to vector<3x2048xf32>
    %get3A_9 = arith.constant 2 : index
    %get3A_10 = arith.constant 0 : index
    %get3A_11 = arith.constant 0 : index
    %get3A_12 = vector.load %arg1[%get3A_9, %get3A_10, %get3A_11] : memref<3x3x2048xf32, #tpu.memory_space<vmem>>, vector<1x3x2048xf32>
    %get3A_13 = vector.shape_cast %get3A_12 : vector<1x3x2048xf32> to vector<3x2048xf32>
    %concatenate3A = tpu.concatenate %get3A_3, %get3A_8, %get3A_13 in 0 : vector<3x2048xf32>, vector<3x2048xf32>, vector<3x2048xf32> -> vector<9x2048xf32>
    %get3A_14 = arith.constant 0 : index
    %get3A_15 = arith.constant 0 : index
    %get3A_16 = arith.constant 0 : index
    %get3A_17 = vector.load %arg2[%get3A_14, %get3A_15, %get3A_16] : memref<3x3x4608xf32, #tpu.memory_space<vmem>>, vector<1x3x4608xf32>
    %get3A_18 = vector.shape_cast %get3A_17 : vector<1x3x4608xf32> to vector<3x4608xf32>
    %get3A_19 = arith.constant 1 : index
    %get3A_20 = arith.constant 0 : index
    %get3A_21 = arith.constant 0 : index
    %get3A_22 = vector.load %arg2[%get3A_19, %get3A_20, %get3A_21] : memref<3x3x4608xf32, #tpu.memory_space<vmem>>, vector<1x3x4608xf32>
    %get3A_23 = vector.shape_cast %get3A_22 : vector<1x3x4608xf32> to vector<3x4608xf32>
    %get3A_24 = arith.constant 2 : index
    %get3A_25 = arith.constant 0 : index
    %get3A_26 = arith.constant 0 : index
    %get3A_27 = vector.load %arg2[%get3A_24, %get3A_25, %get3A_26] : memref<3x3x4608xf32, #tpu.memory_space<vmem>>, vector<1x3x4608xf32>
    %get3A_28 = vector.shape_cast %get3A_27 : vector<1x3x4608xf32> to vector<3x4608xf32>
    %concatenate3A_29 = tpu.concatenate %get3A_18, %get3A_23, %get3A_28 in 0 : vector<3x4608xf32>, vector<3x4608xf32>, vector<3x4608xf32> -> vector<9x4608xf32>
    %dot_general3A = arith.constant dense<0.000000e+00> : vector<4608x2048xf32>
    %dot_general3A_30 = tpu.matmul %concatenate3A_29, %concatenate3A, %dot_general3A {dimension_numbers = #tpu.dot_dimension_numbers<[0], [0], [1], [1], [0, 1, 1, 1], [], []>, transpose_lhs_hint = false} : vector<9x4608xf32>, vector<9x2048xf32>, vector<4608x2048xf32> -> vector<4608x2048xf32>
    %reshape3A = vector.shape_cast %dot_general3A_30 : vector<4608x2048xf32> to vector<192x3x8x2048xf32>
    %reduce_max3A = arith.constant dense<0xFF800000> : vector<192x8x2048xf32>
    %reduce_max3A_31 = vector.multi_reduction <maximumf>, %reshape3A, %reduce_max3A [1] : vector<192x3x8x2048xf32> to vector<192x8x2048xf32>
    %reduce_max3A_32 = arith.constant dense<0xFF800000> : vector<2048xf32>
    %reduce_max3A_33 = vector.multi_reduction <maximumf>, %reduce_max3A_31, %reduce_max3A_32 [0, 1] : vector<192x8x2048xf32> to vector<2048xf32>
    %broadcast_in_dim3A = vector.shape_cast %reduce_max3A_33 : vector<2048xf32> to vector<1x1x2048xf32>
    %iota3A = tpu.iota {dimensions = array<i32: 0>} : vector<192x1x1xi32>
    %eq3A = vector.broadcast %broadcast_in_dim3A : vector<1x1x2048xf32> to vector<192x8x2048xf32>
    %eq3A_34 = arith.cmpf oeq, %reduce_max3A_31, %eq3A : vector<192x8x2048xf32>
    %jit3A = arith.constant 192 : i32
    %broadcast_in_dim3A_35 = vector.shape_cast %iota3A : vector<192x1x1xi32> to vector<192x1x1xi32>
    %broadcast_in_dim3A_36 = vector.broadcast %broadcast_in_dim3A_35 : vector<192x1x1xi32> to vector<192x8x2048xi32>
    %broadcast_in_dim3A_37 = vector.broadcast %jit3A : i32 to vector<192x8x2048xi32>
    %select_n3A = arith.select %eq3A_34, %broadcast_in_dim3A_36, %broadcast_in_dim3A_37 : vector<192x8x2048xi1>, vector<192x8x2048xi32>
    %reduce_min3A = arith.constant dense<2147483647> : vector<2048xi32>
    %reduce_min3A_38 = vector.multi_reduction <minsi>, %select_n3A, %reduce_min3A [0, 1] : vector<192x8x2048xi32> to vector<2048xi32>
    %broadcast_in_dim3A_39 = vector.shape_cast %reduce_min3A_38 : vector<2048xi32> to vector<1x1x2048xi32>
    %squeeze3A = vector.shape_cast %broadcast_in_dim3A_39 : vector<1x1x2048xi32> to vector<2048xi32>
    %swap3A = arith.constant 0 : index
    %swap3A_40 = vector.load %arg3[%swap3A] : memref<2048xi32, #tpu.memory_space<vmem>>, vector<2048xi32>
    tpu.vector_store %arg3[%swap3A], %squeeze3A {strides = array<i32>} : memref<2048xi32, #tpu.memory_space<vmem>>, vector<2048xi32>,
    return
  }
  func.func @transform_0(%arg0: i32) -> (i32, i32, i32) {
    %c0_i32 = arith.constant 0 : i32
    %c0_i32_0 = arith.constant 0 : i32
    %c0_i32_1 = arith.constant 0 : i32
    return %c0_i32, %c0_i32_0, %arg0 : i32, i32, i32
  }
  func.func @transform_1(%arg0: i32) -> (i32, i32, i32) {
    %c0_i32 = arith.constant 0 : i32
    %c0_i32_0 = arith.constant 0 : i32
    %c0_i32_1 = arith.constant 0 : i32
    %c0_i32_2 = arith.constant 0 : i32
    return %c0_i32, %c0_i32_0, %c0_i32_1 : i32, i32, i32
  }
  func.func @transform_2(%arg0: i32) -> i32 {
    %c0_i32 = arith.constant 0 : i32
    return %arg0 : i32
  }
}

</mosaic_0001>

<sc_bundles>
// kernel: kernel.4.cloned.1.call-start
scs
__scs_entry_jumppad:
0x0: {  	(pc) =	sbr.rel $0x88, $3  }
0x1: {  	(tag) =	ssettag $0x0;
	lr =	simm.s32 $0x1  }
0x2: {  	[smem:$0x3F9C] =	sst lr;
	_ =	strace $0xD0000000  }
0x3: {  	_ = 	snop  }
0x4: {  	_ = 	snop  }
0x5: {  	_ = 	snop  }
0x6: {  	_ = 	snop  }
0x7: {  	_ = 	snop  }
__scs_overlays_trampoline_lowered:
0x8: {  	[smem:$0x3FAB] =	sst s0  }
0x9: {  	[smem:$0x3FAC] =	sst s1  }
0xa: {  	[smem:$0x3FAD] =	sst s2  }
0xb: {  	[smem:$0x3FAE] =	sst s3  }
0xc: {  	[smem:$0x3FAF] =	sst s4  }
0xd: {  	[smem:$0x3FB0] =	sst s5  }
0xe: {  	[smem:$0x3FB1] =	sst s6  }
0xf: {  	[smem:$0x3FB2] =	sst s7  }
0x10: {  	[smem:$0x3FB3] =	sst s8  }
0x11: {  	[smem:$0x3FB4] =	sst s9;
	s0 =	simm.s32 @!p0 $0x0  }
0x12: {  	s1 =	sld [smem:$0x3F9A];
	s0 =	simm.s32 @p0 $0x1  }
0x13: {  	[smem:$0x3FB5] =	sst s0;
	s0 =	simm.s32 @!p1 $0x0  }
0x14: {  	s2 =	sld [smem:$0x3F99];
	s0 =	simm.s32 @p1 $0x1  }
0x15: {  	[smem:$0x3FB6] =	sst s0;
	s0 =	simm.s32 @!p2 $0x0  }
0x16: {  	s3 =	sld [smem:$0x3FDB];
	s0 =	simm.s32 @p2 $0x1  }
0x17: {  	s4 =	simm.s32 $0x1BF5;
	[smem:$0x3FB8] =	sst s0  }
0x18: {  	s0 =	sld [smem:$0x3F9B];
	_ =	swait.ge [sflag:s4], $0x0  }
0x19: {  	s7 =	sld [smem:$0x3F9C]  }
0x1a: {  	s8 =	sadd.s32 $0xFFFFE003, lr  }
0x1b: {  	s9 =	sadd.s32 $0xFFFFFEF7, lr;
	s5 =	simm.s32 $0xFFFFFFFF;
	p2 =	slt.u32 s8, $0xFFFFF086  }
0x1c: {  	p1 =	slt.u32 s9, $0xF7A;
	s5 =	simm.s32 @!p2 $0x0  }
0x1d: {  	s5 =	simm.s32 @p1 $0x1;
	p0 =	seq.s32 s7, s2  }
0x1e: {  	s7 =	smul.u32 @!p0 $0xF7A, s2;
	p2 =	seq.s32 @!p0 s5, $0x0  }
0x1f: {  	s9 =	smul.u32 $0xF7A, s1;
	s8 =	simm.s32 @!p0 $0x1BF5;
	p2 =	por !p2, p0  }
0x20: {  	[sflag:s8] =	ssyncset.s32 @!p0 $0xFFFFF086;
	s6 =	sadd.s32 @!p0 s3, s7;
	s7 =	simm.s32 @!p0 $0x108  }
0x21: {  	s3 =	sadd.s32 s3, s9;
	s6 =	sadd.s32 @!p0 $0x88, s6;
	s7 =	simm.s32 @p2 $0x1082  }
0x22: {  	[simem:s7], [sflag:s8] =	dma.local @!p0 [hbm:s6], $0xF7A  }
0x23: {  	s9 =	sor.u32 $0xD0000000, s2;
	s6 =	simm.s32 $0x108;
	_ =	swait.ge @!p0 [sflag:s8], $0x0  }
0x24: {  	s3 =	sadd.s32 $0x88, s3;
	s6 =	simm.s32 @!p1 $0x1082;
	[sflag:s4] =	ssyncset.s32 $0xFFFFF086  }
0x25: {  	[simem:s6], [sflag:s4] =	dma.local [hbm:s3], $0xF7A  }
0x26: {  	[smem:$0x3F9C] =	sst s1;
	(tag) =	ssettag s2;
	_ =	strace s9  }
0x27: {  	s1 =	sld [smem:$0x3FAC]  }
0x28: {  	s2 =	sld [smem:$0x3FAD]  }
0x29: {  	s4 =	sld [smem:$0x3FAF]  }
0x2a: {  	p0 =	seq.s32 s5, $0x0;
	s5 =	sld [smem:$0x3FB0]  }
0x2b: {  	s6 =	sld [smem:$0x3FB1]  }
0x2c: {  	s7 =	sld [smem:$0x3FB2]  }
0x2d: {  	s3 =	simm.s32 $0x108;
	s8 =	sld [smem:$0x3FB3]  }
0x2e: {  	s3 =	simm.s32 @!p0 $0x1082;
	s9 =	sld [smem:$0x3FB4]  }
0x2f: {  	lr =	sadd.s32 s0, s3;
	s0 =	sld [smem:$0x3FAB]  }
0x30: {  	s3 =	sld [smem:$0x3FAE]  }
0x31: {  	[smem:$0x3FB7] =	sst s10  }
0x32: {  	s10 =	sld [smem:$0x3FB5];
	_ =	sdelay $0x3  }
0x33: {  	p0 =	seq.s32 s10, $0x1;
	s10 =	sld [smem:$0x3FB7];
	_ =	sdelay $0x3  }
0x34: {  	[smem:$0x3FB7] =	sst s10  }
0x35: {  	s10 =	sld [smem:$0x3FB6];
	_ =	sdelay $0x3  }
0x36: {  	p1 =	seq.s32 s10, $0x1;
	s10 =	sld [smem:$0x3FB7];
	_ =	sdelay $0x3  }
0x37: {  	[smem:$0x3FB7] =	sst s10  }
0x38: {  	s10 =	sld [smem:$0x3FB8]  }
0x39: {  	_ = 	snop;
	(pc) =	sbr.ind lr, $3  }
0x3a: {  	_ = 	snop  }
0x3b: {  	_ = 	snop  }
0x3c: {  	p2 =	seq.s32 s10, $0x1;
	s10 =	sld [smem:$0x3FB7]  }
0x3d: {  	_ =	shalt  }
0x3e: {  	_ =	shalt  }
0x3f: {  	_ =	shalt  }
0x40: {  	_ =	shalt  }
0x41: {  	_ =	shalt  }
0x42: {  	_ =	shalt  }
0x43: {  	_ =	shalt  }
0x44: {  	_ =	shalt  }
0x45: {  	_ =	shalt  }
0x46: {  	_ =	shalt  }
0x47: {  	_ =	shalt  }
0x48: {  	_ =	shalt  }
0x49: {  	_ =	shalt  }
0x4a: {  	_ =	shalt  }
0x4b: {  	_ =	shalt  }
0x4c: {  	_ =	shalt  }
0x4d: {  	_ =	shalt  }
0x4e: {  	_ =	shalt  }
0x4f: {  	_ =	shalt  }
0x50: {  	_ =	shalt  }
0x51: {  	_ =	shalt  }
0x52: {  	_ =	shalt  }
0x53: {  	_ =	shalt  }
0x54: {  	_ =	shalt  }
0x55: {  	_ =	shalt  }
0x56: {  	_ =	shalt  }
0x57: {  	_ =	shalt  }
0x58: {  	_ =	shalt  }
0x59: {  	_ =	shalt  }
0x5a: {  	_ =	shalt  }
0x5b: {  	_ =	shalt  }
0x5c: {  	_ =	shalt  }
0x5d: {  	_ =	shalt  }
0x5e: {  	_ =	shalt  }
0x5f: {  	_ =	shalt  }
0x60: {  	_ =	shalt  }
0x61: {  	_ =	shalt  }
0x62: {  	_ =	shalt  }
0x63: {  	_ =	shalt  }
0x64: {  	_ =	shalt  }
0x65: {  	_ =	shalt  }
0x66: {  	_ =	shalt  }
0x67: {  	_ =	shalt  }
0x68: {  	_ =	shalt  }
0x69: {  	_ =	shalt  }
0x6a: {  	_ =	shalt  }
0x6b: {  	_ =	shalt  }
0x6c: {  	_ =	shalt  }
0x6d: {  	_ =	shalt  }
0x6e: {  	_ =	shalt  }
0x6f: {  	_ =	shalt  }
0x70: {  	_ =	shalt  }
0x71: {  	_ =	shalt  }
0x72: {  	_ =	shalt  }
0x73: {  	_ =	shalt  }
0x74: {  	_ =	shalt  }
0x75: {  	_ =	shalt  }
0x76: {  	_ =	shalt  }
0x77: {  	_ =	shalt  }
0x78: {  	_ =	shalt  }
0x79: {  	_ =	shalt  }
0x7a: {  	_ =	shalt  }
0x7b: {  	_ =	shalt  }
0x7c: {  	_ =	shalt  }
0x7d: {  	_ =	shalt  }
0x7e: {  	_ =	shalt  }
0x7f: {  	_ =	shalt  }
0x80: {  	_ =	shalt  }
0x81: {  	_ =	shalt  }
0x82: {  	_ =	shalt  }
0x83: {  	_ =	shalt  }
0x84: {  	_ =	shalt  }
0x85: {  	_ =	shalt  }
0x86: {  	_ =	shalt  }
0x87: {  	_ =	shalt  }
.Lfunc_end0:
.L_simem_size_0:
called_computation_lowered:
.L_overlay_start_0:
0x88: {  	s2 =	sld [smem:$0x3FD9]  }
0x89: {  	s3 =	sld [smem:$0x3FFE];
	_ =	sdelay $0x1  }
0x8a: {  	s1 =	srdreg.scid  }
0x8b: {  	s0 =	sand.u32 $0x1, s1  }
0x8c: {  	s17 =	sshll.u32 s0, $0xA;
	s2 =	sadd.s32 s3, s2  }
0x8d: {  	s2 =	sadd.s32 s2, s17  }
0x8e: {  	[smem:$0x3FC3] =	sst s2  }
0x8f: {  	_ = 	snop  }
0x90: {  	s2 =	sld [smem:$0x3FC8]  }
0x91: {  	s18 =	sld [smem:$0x3FC6]  }
0x92: {  	s4 =	sld [smem:$0x3FC5]  }
0x93: {  	s5 =	sld [smem:$0x3FD0];
	(tm) =	ssettm $0x1  }
0x94: {  	s6 =	sld [smem:$0x3FFB];
	_ =	sdelay $0x3  }
0x95: {  	_ =	strace s6  }
0x96: {  	s6 =	sld [smem:$0x3FFC];
	_ =	sdelay $0x3  }
0x97: {  	_ =	strace s6  }
0x98: {  	s6 =	sld [smem:$0x3FFD];
	_ =	sdelay $0x3  }
0x99: {  	_ =	strace s6  }
0x9a: {  	_ =	strace $0x8FFFFFFF  }
0x9b: {  	s19 =	sld [smem:$0x3FDB];
	_ =	sdelay $0x1  }
0x9c: {  	s7 =	simm.s32 $_scs_section_size  }
0x9d: {  	s8 =	simm.s32 $_size__tile_overlayer_lowered;
	s9 =	simm.s32 $_tile_overlayer_lowered  }
0x9e: {  	s22 =	simm.s32 $0x1BFF;
	s21 =	sshll.u32 s9, $0x1;
	s6 =	sadd.s32 s7, s19  }
0x9f: {  	s10 =	simm.s32 $0x0;
	s20 =	sshll.u32 s8, $0x1;
	s8 =	sadd.s32 s21, s6  }
0xa0: {  	[timem:s10], [sflag:s22] =	dma.local [hbm:s8], s20  }
0xa1: {  	_ =	swait.ge [sflag:s22], s20  }
0xa2: {  	s7 =	ssub.s32 $0x0, s20;
	[sflag:s22] =	ssyncset.done $0x0  }
0xa3: {  	[sflag:s22] =	ssyncadd.s32 s7;
	_ =	sdelay $0x1  }
0xa4: {  	s23 =	simm.s32 $0x1B8B  }
0xa5: {  	_ =	swait.ge [sflag:s23], $0x1  }
0xa6: {  	[sflag:s23] =	ssyncset.done $0x0  }
0xa7: {  	s25 =	simm.s32 $0x1B8E;
	s24 =	sld [smem:$0x3FFE];
	[sflag:s23] =	ssyncadd.s32 $0xFFFFFFFF  }
0xa8: {  	s26 =	simm.s32 $execute0_lowered;
	[smem:$0x3FD2] =	sst s25  }
0xa9: {  	s8 =	sshll.u32 s26, $0x1;
	_ =	strace $0x80000046;
	[dreg:$0x1] =	wrdreg $0xFFFFFFFF  }
0xaa: {  	s28 =	simm.s32 $_size_execute0_lowered;
	s6 =	sadd.s32 s6, s8;
	[dreg:$0x0] =	wrdreg $0x0  }
0xab: {  	s8 =	sshll.u32 s28, $0x1;
	[dreg:$0x2] =	wrdreg s6  }
0xac: {  	[dreg:$0x3] =	wrdreg s8  }
0xad: {  	[dreg:$0x4] =	wrdreg $0xC0  }
0xae: {  	_ =	task [dreg:s10], $0x5FFFF  }
0xaf: {  	[dreg:$0x1] =	wrdreg $0xFFFFFFFF  }
0xb0: {  	[dreg:$0x0] =	wrdreg $0x60  }
0xb1: {  	[dreg:$0x2] =	wrdreg s24  }
0xb2: {  	[dreg:$0x3] =	wrdreg s2  }
0xb3: {  	[dreg:$0x4] =	wrdreg s18  }
0xb4: {  	[dreg:$0x5] =	wrdreg s4  }
0xb5: {  	[dreg:$0x6] =	wrdreg s5  }
0xb6: {  	[dreg:$0x7] =	wrdreg $0x9  }
0xb7: {  	_ =	task.clear_ibuf [dreg:s10], $0x8FFFF;
	_ =	strace $0x90000046  }
0xb8: {  	s29 =	simm.s32 $0x9;
	_ =	strace $0x80000048  }
0xb9: {  	_ =	swait.ge [sflag:s29], $0x1  }
0xba: {  	[sflag:s29] =	ssyncadd.s32 $0xFFFFFFFF  }
0xbb: {  	_ =	strace $0x90000048  }
0xbc: {  	_ =	sfence  }
0xbd: {  	s30 =	sld [smem:$0x0];
	_ =	sdelay $0x2  }
0xbe: {  	s31 =	sshll.u32 s1, $0xD;
	s1 =	sshrl.u32 s1, $0x2  }
0xbf: {  	s3 =	sand.u32 $0x4000, s31;
	s1 =	sadd.s32 s1, s30  }
0xc0: {  	s0 =	sor.u32 s3, s0;
	s1 =	sshll.u32 s1, $0x11  }
0xc1: {  	s0 =	sor.u32 s1, s0  }
0xc2: {  	s0 =	sadd.s32 $0x8F2B, s0  }
0xc3: {  	[sflag:s0] =	ssyncadd.remote.s32 $0x1  }
0xc4: {  	_ =	sfence.sel $0xFFFF  }
0xc5: {  	[dreg:$0x0] =	wrdreg $0xFFFFFFFF;
	(pc) =	sbr.abs _section_cstart, $3  }
0xc6: {  	[dreg:$0x1] =	wrdreg $0xFFFFFFFF  }
0xc7: {  	_ =	task.clear_ibuf [dreg:s10], $0x2FFFF;
	_ =	strace $0x9FFFFFFF  }
0xc8: {  	(tm) =	ssettm $0x7FFFFFFF  }
0xc9: {  	_ =	shalt  }
tec
execute0_lowered:
.L_overlay_start_1:
0x0: {  	(tag) =	ssettag $0x1  }
0x1: {  	s3 =	rddreg [dreg:$0x0]  }
0x2: {  	s4 =	rddreg [dreg:$0x1]  }
0x3: {  	s7 =	rddreg [dreg:$0x2]  }
0x4: {  	s6 =	rddreg [dreg:$0x3]  }
0x5: {  	s5 =	rddreg [dreg:$0x4];
	s2 =	srdreg.scid  }
0x6: {  	s0 =	rddreg [dreg:$0x5];
	s1 =	stileid.u32;
	s8 =	sand.u32 $0x1, s2  }
0x7: {  	s2 =	simm.s32 $0x0;
	s9 =	sshll.u32 s1, $0x5;
	s10 =	sshll.u32 s8, $0x4  }
0x8: {  	[smem:$0x7FF] =	sst s2;
	s31 =	ssub.s32 $0x2, s8;
	s9 =	sor.u32 s10, s9  }
0x9: {  	_ =	strace $0x80000047;
	s11 =	sshrl.u32 s31, $0x1;
	s3 =	sadd.s32 s9, s3  }
0xa: {  	s10 =	ssub.s32 s31, s11;
	s8 =	sadd.s32 $0xA00, s3;
	s3 =	simm.s32 $0x2  }
0xb: {  	[tilespmem:s2], [sflag:$0x2] =	stream.linear.gather [hbm4b:s8+s2], $0x80, $0x38;
	[tilespmem:$0x280] =	vst v63  }
0xc: {  	s11 =	sadd.s32 s4, s9;
	s14 =	smax.u32 s10, $0x1;
	_ =	swait.ge [sflag:s3], $0x80  }
0xd: {  	s4 =	sadd.s32 s5, s9;
	p0 =	sne.s32 s14, $0x1;
	[sflag:s3] =	ssyncset.done $0x0  }
.Ltmp0:
0xe: {  	s9 =	simm.s32 $0x80;
	[sflag:s3] =	ssyncadd.s32 $0xFFFFFF80;
	(pc) =	sbr.rel @!p0 .LBB2_2-.Ltmp0, $4  }
0xf: {  	[tilespmem:s9], [sflag:$0x2] =	stream.linear.gather [hbm4b:s11+s2], $0x80, $0x38;
	[tilespmem:$0x280] =	vst v63  }
0x10: {  	s13 =	simm.s32 $0x100;
	_ =	swait.ge [sflag:s3], $0x80  }
0x11: {  	s12 =	simm.s32 $0x180;
	s5 =	simm.s32 $0x200;
	[sflag:s3] =	ssyncset.done $0x0  }
0x12: {  	s10 =	simm.s32 $0x1;
	s14 =	sadd.s32 $0xFFFFFFFF, s14;
	[sflag:s3] =	ssyncadd.s32 $0xFFFFFF80  }
.LBB2_1:
0x13: {  	[tilespmem:s13], [sflag:$0x1] =	stream.indirect.gather [hbm4b:s7+s9], $0x1, s2, s9, $0xb8;
	[tilespmem:$0x280] =	vst v63  }
0x14: {  	p0 =	sne.s32 s14, $0x1;
	s14 =	sadd.s32 $0xFFFFFFFF, s14;
	_ =	swait.ge [sflag:s10], $0x80  }
0x15: {  	[sflag:s10] =	ssyncset.done $0x0  }
0x16: {  	[sflag:s10] =	ssyncadd.s32 $0xFFFFFF80  }
0x17: {  	[tilespmem:s12], [sflag:$0x1] =	stream.indirect.gather [hbm4b:s6+s9], $0x1, s2, s9, $0xb8;
	[tilespmem:$0x280] =	vst v63  }
0x18: {  	_ =	swait.ge [sflag:s10], $0x80  }
0x19: {  	[sflag:s10] =	ssyncset.done $0x0  }
0x1a: {  	[sflag:s10] =	ssyncadd.s32 $0xFFFFFF80  }
0x1b: {  	v0 =	vld [tilespmem:$0x110]  }
0x1c: {  	v1 =	vld [tilespmem:$0x120]  }
0x1d: {  	v2 =	vld [tilespmem:$0xA0]  }
0x1e: {  	v3 =	vld [tilespmem:$0x170]  }
0x1f: {  	v4 =	vld [tilespmem:$0x90]  }
0x20: {  	v5 =	vld [tilespmem:$0x1C0]  }
0x21: {  	v6 =	vld [tilespmem:$0xF0]  }
0x22: {  	v7 =	vld [tilespmem:$0x1B0]  }
0x23: {  	v8 =	vld [tilespmem:$0x1A0]  }
0x24: {  	v9 =	vld [tilespmem:$0x1E0]  }
0x25: {  	v10 =	vld [tilespmem:$0x190]  }
0x26: {  	v11 =	vld [tilespmem:$0x100]  }
0x27: {  	v12 =	vld [tilespmem:$0x80]  }
0x28: {  	v13 =	vld [tilespmem:$0x1F0];
	(erf) = vrcp.f32 v8  }
0x29: {  	v1 =	vsub.f32 v2, v1;
	v8 =	vld [tilespmem:$0x180];
	(erf) = vrcp.f32 v9  }
0x2a: {  	v2 =	vld [tilespmem:$0x1D0];
	(erf) = vrcp.f32 v10  }
0x2b: {  	v9 =	vld [tilespmem:$0xE0];
	(erf) = vrcp.f32 v7  }
0x2c: {  	v0 =	vsub.f32 v4, v0;
	v7 =	vsub.f32 v12, v11;
	v4 =	vld [tilespmem:$0x160];
	(erf) = vrcp.f32 v5  }
0x2d: {  	v3 =	vsub.f32 v6, v3;
	v5 =	vld [tilespmem:$0xB0];
	(erf) = vrcp.f32 v13  }
0x2e: {  	v6 =	vld [tilespmem:$0x130];
	(erf) = vrcp.f32 v8  }
0x2f: {  	v8 =	vld [tilespmem:$0xC0];
	(erf) = vrcp.f32 v2  }
0x30: {  	v2 =	vld [tilespmem:$0xD0]  }
0x31: {  	v10 =	vld [tilespmem:$0x140];
	v4 =	vsub.f32 v9, v4;
	v9 =	vpop (erf)  }
0x32: {  	v12 =	vmul.f32 v9, v1;
	v9 =	vld [tilespmem:$0x150];
	v11 =	vpop (erf)  }
0x33: {  	v13 =	vsub.f32 v5, v6;
	v11 =	vmul.f32 v11, v4;
	v6 =	vpop (erf)  }
0x34: {  	v0 =	vmul.f32 v6, v0;
	[tilespmem:$0x220] =	vst v12;
	v1 =	vpop (erf)  }
0x35: {  	v1 =	vmul.f32 v1, v13;
	[tilespmem:$0x260] =	vst v11;
	v4 =	vpop (erf)  }
0x36: {  	[tilespmem:$0x210] =	vst v0;
	v0 =	vsub.f32 v8, v10;
	v5 =	vpop (erf)  }
0x37: {  	[tilespmem:$0x230] =	vst v1;
	v1 =	vsub.f32 v2, v9;
	v2 =	vmul.f32 v5, v3;
	v3 =	vpop (erf)  }
0x38: {  	v3 =	vmul.f32 v3, v7;
	v0 =	vmul.f32 v4, v0;
	v4 =	vpop (erf)  }
0x39: {  	v1 =	vmul.f32 v4, v1;
	[tilespmem:$0x270] =	vst v2  }
0x3a: {  	[tilespmem:$0x200] =	vst v3  }
0x3b: {  	[tilespmem:$0x240] =	vst v0  }
0x3c: {  	[tilespmem:$0x250] =	vst v1  }
0x3d: {  	[hbm4b:s4+s2] =	stream.linear.scatter [tilespmem:s5], [sflag:$0x2], $0x80, $0x38;
	[tilespmem:$0x280] =	vst v63  }
0x3e: {  	_ =	swait.ge [sflag:s3], $0x80  }
0x3f: {  	[sflag:s3] =	ssyncset.done $0x0  }
0x40: {  	[sflag:s3] =	ssyncadd.s32 $0xFFFFFF80  }
0x41: {  	[tilespmem:s2], [sflag:$0x2] =	stream.linear.gather [hbm4b:s8+s2], $0x80, $0x38;
	[tilespmem:$0x280] =	vst v63  }
0x42: {  	_ =	swait.ge [sflag:s3], $0x80  }
0x43: {  	[sflag:s3] =	ssyncset.done $0x0  }
.Ltmp1:
0x44: {  	[sflag:s3] =	ssyncadd.s32 $0xFFFFFF80;
	(pc) =	sbr.rel @p0 .LBB2_1-.Ltmp1, $4  }
0x45: {  	[tilespmem:s9], [sflag:$0x2] =	stream.linear.gather [hbm4b:s11+s2], $0x80, $0x38;
	[tilespmem:$0x280] =	vst v63  }
0x46: {  	_ =	swait.ge [sflag:s3], $0x80  }
0x47: {  	[sflag:s3] =	ssyncset.done $0x0  }
0x48: {  	[sflag:s3] =	ssyncadd.s32 $0xFFFFFF80  }
.LBB2_2:
0x49: {  	[tilespmem:s13], [sflag:$0x1] =	stream.indirect.gather [hbm4b:s7+s9], $0x1, s2, s9, $0xb8;
	[tilespmem:$0x280] =	vst v63  }
0x4a: {  	_ =	swait.ge [sflag:s10], $0x80  }
0x4b: {  	[sflag:s10] =	ssyncset.done $0x0  }
0x4c: {  	[sflag:s10] =	ssyncadd.s32 $0xFFFFFF80  }
0x4d: {  	[tilespmem:s12], [sflag:$0x1] =	stream.indirect.gather [hbm4b:s6+s9], $0x1, s2, s9, $0xb8;
	[tilespmem:$0x280] =	vst v63  }
0x4e: {  	_ =	swait.ge [sflag:s10], $0x80  }
0x4f: {  	[sflag:s10] =	ssyncset.done $0x0  }
0x50: {  	[sflag:s10] =	ssyncadd.s32 $0xFFFFFF80  }
0x51: {  	v0 =	vld [tilespmem:$0x110]  }
0x52: {  	v1 =	vld [tilespmem:$0x120]  }
0x53: {  	v2 =	vld [tilespmem:$0xA0]  }
0x54: {  	v3 =	vld [tilespmem:$0x170]  }
0x55: {  	v4 =	vld [tilespmem:$0x90]  }
0x56: {  	v5 =	vld [tilespmem:$0x1C0]  }
0x57: {  	v6 =	vld [tilespmem:$0xF0]  }
0x58: {  	v7 =	vld [tilespmem:$0x1A0]  }
0x59: {  	v8 =	vld [tilespmem:$0x1E0]  }
0x5a: {  	v9 =	vld [tilespmem:$0x190]  }
0x5b: {  	v10 =	vld [tilespmem:$0x1B0]  }
0x5c: {  	v11 =	vld [tilespmem:$0x100]  }
0x5d: {  	v12 =	vld [tilespmem:$0x1F0]  }
0x5e: {  	v44 =	vld [tilespmem:$0x180];
	(erf) = vrcp.f32 v7  }
0x5f: {  	v46 =	vld [tilespmem:$0x1D0];
	(erf) = vrcp.f32 v8  }
0x60: {  	v47 =	vld [tilespmem:$0xE0];
	(erf) = vrcp.f32 v9  }
0x61: {  	v48 =	vld [tilespmem:$0x160];
	(erf) = vrcp.f32 v10  }
0x62: {  	v49 =	vld [tilespmem:$0xB0];
	(erf) = vrcp.f32 v5  }
0x63: {  	v50 =	vld [tilespmem:$0x130];
	(erf) = vrcp.f32 v12  }
0x64: {  	v13 =	vld [tilespmem:$0xC0];
	(erf) = vrcp.f32 v44  }
0x65: {  	v14 =	vld [tilespmem:$0x140];
	(erf) = vrcp.f32 v46  }
0x66: {  	v45 =	vld [tilespmem:$0x80];
	v1 =	vsub.f32 v2, v1  }
0x67: {  	v51 =	vld [tilespmem:$0xD0];
	v5 =	vsub.f32 v47, v48;
	v52 =	vpop (erf)  }
0x68: {  	v54 =	vld [tilespmem:$0x150];
	v0 =	vsub.f32 v4, v0;
	v53 =	vpop (erf);
	v1 =	vmul.f32 v52, v1  }
0x69: {  	v7 =	vsub.f32 v49, v50;
	v55 =	vpop (erf);
	v5 =	vmul.f32 v53, v5  }
0x6a: {  	v60 =	vsub.f32 v13, v14;
	v56 =	vpop (erf);
	v0 =	vmul.f32 v55, v0;
	[tilespmem:$0x220] =	vst v1  }
0x6b: {  	v3 =	vsub.f32 v6, v3;
	v57 =	vpop (erf);
	v7 =	vmul.f32 v56, v7;
	[tilespmem:$0x260] =	vst v5  }
0x6c: {  	v58 =	vsub.f32 v45, v11;
	v59 =	vpop (erf);
	[tilespmem:$0x210] =	vst v0;
	v0 =	vmul.f32 v57, v60  }
0x6d: {  	v2 =	vsub.f32 v51, v54;
	v3 =	vmul.f32 v59, v3;
	v61 =	vpop (erf);
	[tilespmem:$0x230] =	vst v7  }
0x6e: {  	v62 =	vmul.f32 v61, v58;
	v63 =	vpop (erf);
	[tilespmem:$0x240] =	vst v0  }
0x6f: {  	[tilespmem:$0x270] =	vst v3;
	v1 =	vmul.f32 v63, v2  }
0x70: {  	[tilespmem:$0x200] =	vst v62  }
0x71: {  	[tilespmem:$0x250] =	vst v1  }
0x72: {  	[hbm4b:s4+s2] =	stream.linear.scatter [tilespmem:s5], [sflag:$0x2], $0x80, $0x38;
	[tilespmem:$0x280] =	vst v63  }
0x73: {  	_ =	swait.ge [sflag:s3], $0x80  }
0x74: {  	[sflag:s3] =	ssyncset.done $0x0  }
0x75: {  	[sflag:s3] =	ssyncadd.s32 $0xFFFFFF80  }
0x76: {  	_ =	sfence.sel $0x180000  }
0x77: {  	[bflag:$0x0] =	sbarrier.arrive $0xFFFF  }
0x78: {  	p0 =	sne.s32 s1, $0x0;
	_ =	strace $0x90000047  }
0x79: {  	s0 =	sadd.s32 @!p0 $0x100000, s0;
	[bflag:$0x2] =	sbarrier.arrive $0xFFFF  }
0x7a: {  	[sflag:s0] =	ssyncadd.tile.s32 @!p0 $0x1;
	_ =	shalt  }
.Lfunc_end2:
_tile_overlayer_lowered:
.L_overlay_start_2:
0x7b: {  	(tag) =	ssettag $0x2  }
0x7c: {  	s0 =	rddreg [dreg:$0x0];
	s2 =	stileid.u32  }
0x7d: {  	s1 =	rddreg [dreg:$0x1];
	p0 =	sne.s32 s2, $0x0  }
0x7e: {  	s3 =	rddreg [dreg:$0x2];
	[bflag:$0x3] =	sbarrier.arrive $0xFFFF;
	s2 =	simm.s32 @!p0 $0x1C02  }
0x7f: {  	[timem:s3], [sflag:s2] =	dma.local @!p0 [hbm:s0], s1  }
0x80: {  	s0 =	simm.s32 @!p0 $0x2  }
0x81: {  	_ =	swait.ge @!p0 [sflag:s0], s1  }
0x82: {  	s1 =	ssub.s32 @!p0 $0x0, s1;
	[sflag:s0] =	ssyncset.done @!p0 $0x0  }
0x83: {  	[sflag:s0] =	ssyncadd.s32 @!p0 s1  }
0x84: {  	[bflag:$0x3] =	sbarrier.arrive $0xFFFF  }
0x85: {  	_ =	shalt  }

</sc_bundles>
